<compile_context>
chip_gen: v7x
topology: tpu7x:2x2x1
jax: 0.10.2.dev20260603
libtpu: 0.0.44.dev20260713+nightly
codegen_flags: <defaults>
</compile_context>

<pallas_src>
import functools

import jax
import jax.numpy as jnp
from jax import lax
from jax.experimental import pallas as pl
from jax.experimental.pallas import tpu as pltpu
from jax.experimental.pallas import tpu_sc as plsc

_NC = 2
_NS = 16
_CH = 4


def kernel(x, pe_weight):
    batch = x.shape[0]
    max_len, d_model = pe_weight.shape
    nw = _NC * _NS
    rows_per_w = batch // nw
    n_copies = rows_per_w // _CH

    mesh = plsc.VectorSubcoreMesh(core_axis_name="c", subcore_axis_name="s")

    @functools.partial(
        pl.kernel,
        mesh=mesh,
        out_type=jax.ShapeDtypeStruct((batch, max_len, d_model), pe_weight.dtype),
        scratch_types=[
            pltpu.VMEM((_CH, max_len, d_model), pe_weight.dtype),
            pltpu.SemaphoreType.DMA,
        ],
    )
    def sc_bcast(pe_hbm, out_hbm, stage_v, sem):
        wid = lax.axis_index("s") * _NC + lax.axis_index("c")
        base = wid * rows_per_w
        stage_copies = [
            pltpu.make_async_copy(pe_hbm, stage_v.at[j], sem)
            for j in range(_CH)
        ]
        for c in stage_copies:
            c.start()
        for c in stage_copies:
            c.wait()
        copies = [
            pltpu.make_async_copy(
                stage_v, out_hbm.at[pl.ds(base + i * _CH, _CH)], sem
            )
            for i in range(n_copies)
        ]
        for c in copies:
            c.start()
        for c in copies:
            c.wait()

    return sc_bcast(pe_weight)

# --- scband reference (transcript-rebuilt; emitter-appended) ---
"""Pipeline reference for scband-positional-embedding-69329362092205 (READ-ONLY COPY).

The authoritative reference and input builder live on the scoring server;
editing this copy changes nothing except your own understanding.
"""

import jax, jax.numpy as jnp
import numpy as np

MAX_LEN = 200
D_MODEL = 128
BATCH = 1024

def setup_inputs(seed: int = 0) -> dict:
    key = jax.random.key(seed)
    k1, k2 = jax.random.split(key)
    x = jax.random.randint(k1, (BATCH, MAX_LEN), 0, 200, dtype=jnp.int64)
    pe_weight = jax.random.normal(k2, (MAX_LEN, D_MODEL), dtype=jnp.float32)
    return {"x": x, "pe_weight": pe_weight}

def reference(x, pe_weight):
    batch_size = x.shape[0]
    # pe.weight.unsqueeze(0).repeat(batch_size, 1, 1)
    out = jnp.tile(pe_weight[None, :, :], (batch_size, 1, 1))
    return out

if __name__ == "__main__":
    import jax
    _d = setup_inputs()
    print(jax.jit(kernel)(*tuple(_d.values())))

</pallas_src>

<mosaic_0001>
#map = affine_map<(d0, d1) -> (0, 0)>
#map1 = affine_map<(d0, d1) -> (0, 0, 0)>
module attributes {stable_mosaic.version = 14 : i64} {
  func.func @sc_bcast(%arg0: i32, %arg1: i32, %arg2: memref<200x128xf32, #tpu.memory_space<hbm>>, %arg3: memref<1024x200x128xf32, #tpu.memory_space<hbm>>, %arg4: memref<4x200x128xf32, #tpu.memory_space<vmem>>, %arg5: memref<!tpu.dma_semaphore, #tpu.memory_space<semaphore_mem>>) attributes {dimension_semantics = [#tpu.dimension_semantics<core_parallel>, #tpu.dimension_semantics<subcore_parallel>], iteration_bounds = array<i64: 2, 16>, scalar_prefetch = 0 : i64, scratch_operands = 2 : i64, tpu.core_type = #tpu.core_type<sc_vector_subcore>, window_params = [{transform_indices = #map}, {transform_indices = #map1}]} {
    %mul3A = arith.constant 2 : i32
    %mul3A_0 = arith.muli %arg1, %mul3A : i32
    %add3A = arith.addi %mul3A_0, %arg0 : i32
    %mul3A_1 = arith.constant 32 : i32
    %mul3A_2 = arith.muli %add3A, %mul3A_1 : i32
    %dma_start3A = arith.constant 0 : i32
    %dma_start3A_3 = arith.constant 0 : i32
    %dma_start3A_4 = arith.constant 0 : i32
    %dma_start3A_5 = tpu.memref_slice %arg4[%dma_start3A, %dma_start3A_3, %dma_start3A_4] : memref<4x200x128xf32, #tpu.memory_space<vmem>> -> memref<1x200x128xf32, #tpu.memory_space<vmem>>
    %dma_start3A_6 = tpu.memref_squeeze %dma_start3A_5 : memref<1x200x128xf32, #tpu.memory_space<vmem>> -> memref<200x128xf32, #tpu.memory_space<vmem>>
    %dma_start3A_7 = arith.constant 0 : i32
    %dma_start3A_8 = arith.constant 0 : i32
    %dma_start3A_9 = tpu.memref_slice %arg4[%dma_start3A, %dma_start3A_7, %dma_start3A_8] : memref<4x200x128xf32, #tpu.memory_space<vmem>> -> memref<1x200x128xf32, #tpu.memory_space<vmem>>
    %dma_start3A_10 = tpu.memref_squeeze %dma_start3A_9 : memref<1x200x128xf32, #tpu.memory_space<vmem>> -> memref<200x128xf32, #tpu.memory_space<vmem>>
    tpu.enqueue_dma source(%arg2 : memref<200x128xf32, #tpu.memory_space<hbm>>) target(%dma_start3A_10 : memref<200x128xf32, #tpu.memory_space<vmem>>) target_semaphore(%arg5 : memref<!tpu.dma_semaphore, #tpu.memory_space<semaphore_mem>>)
    %dma_start3A_11 = arith.constant 1 : i32
    %dma_start3A_12 = arith.constant 0 : i32
    %dma_start3A_13 = arith.constant 0 : i32
    %dma_start3A_14 = tpu.memref_slice %arg4[%dma_start3A_11, %dma_start3A_12, %dma_start3A_13] : memref<4x200x128xf32, #tpu.memory_space<vmem>> -> memref<1x200x128xf32, #tpu.memory_space<vmem>>
    %dma_start3A_15 = tpu.memref_squeeze %dma_start3A_14 : memref<1x200x128xf32, #tpu.memory_space<vmem>> -> memref<200x128xf32, #tpu.memory_space<vmem>>
    %dma_start3A_16 = arith.constant 0 : i32
    %dma_start3A_17 = arith.constant 0 : i32
    %dma_start3A_18 = tpu.memref_slice %arg4[%dma_start3A_11, %dma_start3A_16, %dma_start3A_17] : memref<4x200x128xf32, #tpu.memory_space<vmem>> -> memref<1x200x128xf32, #tpu.memory_space<vmem>>
    %dma_start3A_19 = tpu.memref_squeeze %dma_start3A_18 : memref<1x200x128xf32, #tpu.memory_space<vmem>> -> memref<200x128xf32, #tpu.memory_space<vmem>>
    tpu.enqueue_dma source(%arg2 : memref<200x128xf32, #tpu.memory_space<hbm>>) target(%dma_start3A_19 : memref<200x128xf32, #tpu.memory_space<vmem>>) target_semaphore(%arg5 : memref<!tpu.dma_semaphore, #tpu.memory_space<semaphore_mem>>)
    %dma_start3A_20 = arith.constant 2 : i32
    %dma_start3A_21 = arith.constant 0 : i32
    %dma_start3A_22 = arith.constant 0 : i32
    %dma_start3A_23 = tpu.memref_slice %arg4[%dma_start3A_20, %dma_start3A_21, %dma_start3A_22] : memref<4x200x128xf32, #tpu.memory_space<vmem>> -> memref<1x200x128xf32, #tpu.memory_space<vmem>>
    %dma_start3A_24 = tpu.memref_squeeze %dma_start3A_23 : memref<1x200x128xf32, #tpu.memory_space<vmem>> -> memref<200x128xf32, #tpu.memory_space<vmem>>
    %dma_start3A_25 = arith.constant 0 : i32
    %dma_start3A_26 = arith.constant 0 : i32
    %dma_start3A_27 = tpu.memref_slice %arg4[%dma_start3A_20, %dma_start3A_25, %dma_start3A_26] : memref<4x200x128xf32, #tpu.memory_space<vmem>> -> memref<1x200x128xf32, #tpu.memory_space<vmem>>
    %dma_start3A_28 = tpu.memref_squeeze %dma_start3A_27 : memref<1x200x128xf32, #tpu.memory_space<vmem>> -> memref<200x128xf32, #tpu.memory_space<vmem>>
    tpu.enqueue_dma source(%arg2 : memref<200x128xf32, #tpu.memory_space<hbm>>) target(%dma_start3A_28 : memref<200x128xf32, #tpu.memory_space<vmem>>) target_semaphore(%arg5 : memref<!tpu.dma_semaphore, #tpu.memory_space<semaphore_mem>>)
    %dma_start3A_29 = arith.constant 3 : i32
    %dma_start3A_30 = arith.constant 0 : i32
    %dma_start3A_31 = arith.constant 0 : i32
    %dma_start3A_32 = tpu.memref_slice %arg4[%dma_start3A_29, %dma_start3A_30, %dma_start3A_31] : memref<4x200x128xf32, #tpu.memory_space<vmem>> -> memref<1x200x128xf32, #tpu.memory_space<vmem>>
    %dma_start3A_33 = tpu.memref_squeeze %dma_start3A_32 : memref<1x200x128xf32, #tpu.memory_space<vmem>> -> memref<200x128xf32, #tpu.memory_space<vmem>>
    %dma_start3A_34 = arith.constant 0 : i32
    %dma_start3A_35 = arith.constant 0 : i32
    %dma_start3A_36 = tpu.memref_slice %arg4[%dma_start3A_29, %dma_start3A_34, %dma_start3A_35] : memref<4x200x128xf32, #tpu.memory_space<vmem>> -> memref<1x200x128xf32, #tpu.memory_space<vmem>>
    %dma_start3A_37 = tpu.memref_squeeze %dma_start3A_36 : memref<1x200x128xf32, #tpu.memory_space<vmem>> -> memref<200x128xf32, #tpu.memory_space<vmem>>
    tpu.enqueue_dma source(%arg2 : memref<200x128xf32, #tpu.memory_space<hbm>>) target(%dma_start3A_37 : memref<200x128xf32, #tpu.memory_space<vmem>>) target_semaphore(%arg5 : memref<!tpu.dma_semaphore, #tpu.memory_space<semaphore_mem>>)
    %dma_wait3A = arith.constant 0 : i32
    %dma_wait3A_38 = arith.constant 0 : i32
    %dma_wait3A_39 = arith.constant 0 : i32
    %dma_wait3A_40 = tpu.memref_slice %arg4[%dma_wait3A, %dma_wait3A_38, %dma_wait3A_39] : memref<4x200x128xf32, #tpu.memory_space<vmem>> -> memref<1x200x128xf32, #tpu.memory_space<vmem>>
    %dma_wait3A_41 = tpu.memref_squeeze %dma_wait3A_40 : memref<1x200x128xf32, #tpu.memory_space<vmem>> -> memref<200x128xf32, #tpu.memory_space<vmem>>
    %dma_wait3A_42 = arith.constant 0 : i32
    %dma_wait3A_43 = arith.constant 0 : i32
    %dma_wait3A_44 = tpu.memref_slice %arg4[%dma_wait3A, %dma_wait3A_42, %dma_wait3A_43] : memref<4x200x128xf32, #tpu.memory_space<vmem>> -> memref<1x200x128xf32, #tpu.memory_space<vmem>>
    %dma_wait3A_45 = tpu.memref_squeeze %dma_wait3A_44 : memref<1x200x128xf32, #tpu.memory_space<vmem>> -> memref<200x128xf32, #tpu.memory_space<vmem>>
    tpu.wait_dma2 semaphore(%arg5 : memref<!tpu.dma_semaphore, #tpu.memory_space<semaphore_mem>>) src(%arg2 : memref<200x128xf32, #tpu.memory_space<hbm>>) dst(%dma_wait3A_45 : memref<200x128xf32, #tpu.memory_space<vmem>>)
    %dma_wait3A_46 = arith.constant 1 : i32
    %dma_wait3A_47 = arith.constant 0 : i32
    %dma_wait3A_48 = arith.constant 0 : i32
    %dma_wait3A_49 = tpu.memref_slice %arg4[%dma_wait3A_46, %dma_wait3A_47, %dma_wait3A_48] : memref<4x200x128xf32, #tpu.memory_space<vmem>> -> memref<1x200x128xf32, #tpu.memory_space<vmem>>
    %dma_wait3A_50 = tpu.memref_squeeze %dma_wait3A_49 : memref<1x200x128xf32, #tpu.memory_space<vmem>> -> memref<200x128xf32, #tpu.memory_space<vmem>>
    %dma_wait3A_51 = arith.constant 0 : i32
    %dma_wait3A_52 = arith.constant 0 : i32
    %dma_wait3A_53 = tpu.memref_slice %arg4[%dma_wait3A_46, %dma_wait3A_51, %dma_wait3A_52] : memref<4x200x128xf32, #tpu.memory_space<vmem>> -> memref<1x200x128xf32, #tpu.memory_space<vmem>>
    %dma_wait3A_54 = tpu.memref_squeeze %dma_wait3A_53 : memref<1x200x128xf32, #tpu.memory_space<vmem>> -> memref<200x128xf32, #tpu.memory_space<vmem>>
    tpu.wait_dma2 semaphore(%arg5 : memref<!tpu.dma_semaphore, #tpu.memory_space<semaphore_mem>>) src(%arg2 : memref<200x128xf32, #tpu.memory_space<hbm>>) dst(%dma_wait3A_54 : memref<200x128xf32, #tpu.memory_space<vmem>>)
    %dma_wait3A_55 = arith.constant 2 : i32
    %dma_wait3A_56 = arith.constant 0 : i32
    %dma_wait3A_57 = arith.constant 0 : i32
    %dma_wait3A_58 = tpu.memref_slice %arg4[%dma_wait3A_55, %dma_wait3A_56, %dma_wait3A_57] : memref<4x200x128xf32, #tpu.memory_space<vmem>> -> memref<1x200x128xf32, #tpu.memory_space<vmem>>
    %dma_wait3A_59 = tpu.memref_squeeze %dma_wait3A_58 : memref<1x200x128xf32, #tpu.memory_space<vmem>> -> memref<200x128xf32, #tpu.memory_space<vmem>>
    %dma_wait3A_60 = arith.constant 0 : i32
    %dma_wait3A_61 = arith.constant 0 : i32
    %dma_wait3A_62 = tpu.memref_slice %arg4[%dma_wait3A_55, %dma_wait3A_60, %dma_wait3A_61] : memref<4x200x128xf32, #tpu.memory_space<vmem>> -> memref<1x200x128xf32, #tpu.memory_space<vmem>>
    %dma_wait3A_63 = tpu.memref_squeeze %dma_wait3A_62 : memref<1x200x128xf32, #tpu.memory_space<vmem>> -> memref<200x128xf32, #tpu.memory_space<vmem>>
    tpu.wait_dma2 semaphore(%arg5 : memref<!tpu.dma_semaphore, #tpu.memory_space<semaphore_mem>>) src(%arg2 : memref<200x128xf32, #tpu.memory_space<hbm>>) dst(%dma_wait3A_63 : memref<200x128xf32, #tpu.memory_space<vmem>>)
    %dma_wait3A_64 = arith.constant 3 : i32
    %dma_wait3A_65 = arith.constant 0 : i32
    %dma_wait3A_66 = arith.constant 0 : i32
    %dma_wait3A_67 = tpu.memref_slice %arg4[%dma_wait3A_64, %dma_wait3A_65, %dma_wait3A_66] : memref<4x200x128xf32, #tpu.memory_space<vmem>> -> memref<1x200x128xf32, #tpu.memory_space<vmem>>
    %dma_wait3A_68 = tpu.memref_squeeze %dma_wait3A_67 : memref<1x200x128xf32, #tpu.memory_space<vmem>> -> memref<200x128xf32, #tpu.memory_space<vmem>>
    %dma_wait3A_69 = arith.constant 0 : i32
    %dma_wait3A_70 = arith.constant 0 : i32
    %dma_wait3A_71 = tpu.memref_slice %arg4[%dma_wait3A_64, %dma_wait3A_69, %dma_wait3A_70] : memref<4x200x128xf32, #tpu.memory_space<vmem>> -> memref<1x200x128xf32, #tpu.memory_space<vmem>>
    %dma_wait3A_72 = tpu.memref_squeeze %dma_wait3A_71 : memref<1x200x128xf32, #tpu.memory_space<vmem>> -> memref<200x128xf32, #tpu.memory_space<vmem>>
    tpu.wait_dma2 semaphore(%arg5 : memref<!tpu.dma_semaphore, #tpu.memory_space<semaphore_mem>>) src(%arg2 : memref<200x128xf32, #tpu.memory_space<hbm>>) dst(%dma_wait3A_72 : memref<200x128xf32, #tpu.memory_space<vmem>>)
    %add3A_73 = arith.constant 0 : i32
    %add3A_74 = arith.addi %mul3A_2, %add3A_73 : i32
    %add3A_75 = arith.constant 4 : i32
    %add3A_76 = arith.addi %mul3A_2, %add3A_75 : i32
    %add3A_77 = arith.constant 8 : i32
    %add3A_78 = arith.addi %mul3A_2, %add3A_77 : i32
    %add3A_79 = arith.constant 12 : i32
    %add3A_80 = arith.addi %mul3A_2, %add3A_79 : i32
    %add3A_81 = arith.constant 16 : i32
    %add3A_82 = arith.addi %mul3A_2, %add3A_81 : i32
    %add3A_83 = arith.constant 20 : i32
    %add3A_84 = arith.addi %mul3A_2, %add3A_83 : i32
    %add3A_85 = arith.constant 24 : i32
    %add3A_86 = arith.addi %mul3A_2, %add3A_85 : i32
    %add3A_87 = arith.constant 28 : i32
    %add3A_88 = arith.addi %mul3A_2, %add3A_87 : i32
    %dma_start3A_89 = arith.constant 0 : i32
    %dma_start3A_90 = arith.constant 0 : i32
    %dma_start3A_91 = tpu.memref_slice %arg3[%add3A_74, %dma_start3A_89, %dma_start3A_90] : memref<1024x200x128xf32, #tpu.memory_space<hbm>> -> memref<4x200x128xf32, #tpu.memory_space<hbm>>
    %dma_start3A_92 = arith.constant 0 : i32
    %dma_start3A_93 = arith.constant 0 : i32
    %dma_start3A_94 = tpu.memref_slice %arg3[%add3A_74, %dma_start3A_92, %dma_start3A_93] : memref<1024x200x128xf32, #tpu.memory_space<hbm>> -> memref<4x200x128xf32, #tpu.memory_space<hbm>>
    tpu.enqueue_dma source(%arg4 : memref<4x200x128xf32, #tpu.memory_space<vmem>>) target(%dma_start3A_94 : memref<4x200x128xf32, #tpu.memory_space<hbm>>) target_semaphore(%arg5 : memref<!tpu.dma_semaphore, #tpu.memory_space<semaphore_mem>>)
    %dma_start3A_95 = arith.constant 0 : i32
    %dma_start3A_96 = arith.constant 0 : i32
    %dma_start3A_97 = tpu.memref_slice %arg3[%add3A_76, %dma_start3A_95, %dma_start3A_96] : memref<1024x200x128xf32, #tpu.memory_space<hbm>> -> memref<4x200x128xf32, #tpu.memory_space<hbm>>
    %dma_start3A_98 = arith.constant 0 : i32
    %dma_start3A_99 = arith.constant 0 : i32
    %dma_start3A_100 = tpu.memref_slice %arg3[%add3A_76, %dma_start3A_98, %dma_start3A_99] : memref<1024x200x128xf32, #tpu.memory_space<hbm>> -> memref<4x200x128xf32, #tpu.memory_space<hbm>>
    tpu.enqueue_dma source(%arg4 : memref<4x200x128xf32, #tpu.memory_space<vmem>>) target(%dma_start3A_100 : memref<4x200x128xf32, #tpu.memory_space<hbm>>) target_semaphore(%arg5 : memref<!tpu.dma_semaphore, #tpu.memory_space<semaphore_mem>>)
    %dma_start3A_101 = arith.constant 0 : i32
    %dma_start3A_102 = arith.constant 0 : i32
    %dma_start3A_103 = tpu.memref_slice %arg3[%add3A_78, %dma_start3A_101, %dma_start3A_102] : memref<1024x200x128xf32, #tpu.memory_space<hbm>> -> memref<4x200x128xf32, #tpu.memory_space<hbm>>
    %dma_start3A_104 = arith.constant 0 : i32
    %dma_start3A_105 = arith.constant 0 : i32
    %dma_start3A_106 = tpu.memref_slice %arg3[%add3A_78, %dma_start3A_104, %dma_start3A_105] : memref<1024x200x128xf32, #tpu.memory_space<hbm>> -> memref<4x200x128xf32, #tpu.memory_space<hbm>>
    tpu.enqueue_dma source(%arg4 : memref<4x200x128xf32, #tpu.memory_space<vmem>>) target(%dma_start3A_106 : memref<4x200x128xf32, #tpu.memory_space<hbm>>) target_semaphore(%arg5 : memref<!tpu.dma_semaphore, #tpu.memory_space<semaphore_mem>>)
    %dma_start3A_107 = arith.constant 0 : i32
    %dma_start3A_108 = arith.constant 0 : i32
    %dma_start3A_109 = tpu.memref_slice %arg3[%add3A_80, %dma_start3A_107, %dma_start3A_108] : memref<1024x200x128xf32, #tpu.memory_space<hbm>> -> memref<4x200x128xf32, #tpu.memory_space<hbm>>
    %dma_start3A_110 = arith.constant 0 : i32
    %dma_start3A_111 = arith.constant 0 : i32
    %dma_start3A_112 = tpu.memref_slice %arg3[%add3A_80, %dma_start3A_110, %dma_start3A_111] : memref<1024x200x128xf32, #tpu.memory_space<hbm>> -> memref<4x200x128xf32, #tpu.memory_space<hbm>>
    tpu.enqueue_dma source(%arg4 : memref<4x200x128xf32, #tpu.memory_space<vmem>>) target(%dma_start3A_112 : memref<4x200x128xf32, #tpu.memory_space<hbm>>) target_semaphore(%arg5 : memref<!tpu.dma_semaphore, #tpu.memory_space<semaphore_mem>>)
    %dma_start3A_113 = arith.constant 0 : i32
    %dma_start3A_114 = arith.constant 0 : i32
    %dma_start3A_115 = tpu.memref_slice %arg3[%add3A_82, %dma_start3A_113, %dma_start3A_114] : memref<1024x200x128xf32, #tpu.memory_space<hbm>> -> memref<4x200x128xf32, #tpu.memory_space<hbm>>
    %dma_start3A_116 = arith.constant 0 : i32
    %dma_start3A_117 = arith.constant 0 : i32
    %dma_start3A_118 = tpu.memref_slice %arg3[%add3A_82, %dma_start3A_116, %dma_start3A_117] : memref<1024x200x128xf32, #tpu.memory_space<hbm>> -> memref<4x200x128xf32, #tpu.memory_space<hbm>>
    tpu.enqueue_dma source(%arg4 : memref<4x200x128xf32, #tpu.memory_space<vmem>>) target(%dma_start3A_118 : memref<4x200x128xf32, #tpu.memory_space<hbm>>) target_semaphore(%arg5 : memref<!tpu.dma_semaphore, #tpu.memory_space<semaphore_mem>>)
    %dma_start3A_119 = arith.constant 0 : i32
    %dma_start3A_120 = arith.constant 0 : i32
    %dma_start3A_121 = tpu.memref_slice %arg3[%add3A_84, %dma_start3A_119, %dma_start3A_120] : memref<1024x200x128xf32, #tpu.memory_space<hbm>> -> memref<4x200x128xf32, #tpu.memory_space<hbm>>
    %dma_start3A_122 = arith.constant 0 : i32
    %dma_start3A_123 = arith.constant 0 : i32
    %dma_start3A_124 = tpu.memref_slice %arg3[%add3A_84, %dma_start3A_122, %dma_start3A_123] : memref<1024x200x128xf32, #tpu.memory_space<hbm>> -> memref<4x200x128xf32, #tpu.memory_space<hbm>>
    tpu.enqueue_dma source(%arg4 : memref<4x200x128xf32, #tpu.memory_space<vmem>>) target(%dma_start3A_124 : memref<4x200x128xf32, #tpu.memory_space<hbm>>) target_semaphore(%arg5 : memref<!tpu.dma_semaphore, #tpu.memory_space<semaphore_mem>>)
    %dma_start3A_125 = arith.constant 0 : i32
    %dma_start3A_126 = arith.constant 0 : i32
    %dma_start3A_127 = tpu.memref_slice %arg3[%add3A_86, %dma_start3A_125, %dma_start3A_126] : memref<1024x200x128xf32, #tpu.memory_space<hbm>> -> memref<4x200x128xf32, #tpu.memory_space<hbm>>
    %dma_start3A_128 = arith.constant 0 : i32
    %dma_start3A_129 = arith.constant 0 : i32
    %dma_start3A_130 = tpu.memref_slice %arg3[%add3A_86, %dma_start3A_128, %dma_start3A_129] : memref<1024x200x128xf32, #tpu.memory_space<hbm>> -> memref<4x200x128xf32, #tpu.memory_space<hbm>>
    tpu.enqueue_dma source(%arg4 : memref<4x200x128xf32, #tpu.memory_space<vmem>>) target(%dma_start3A_130 : memref<4x200x128xf32, #tpu.memory_space<hbm>>) target_semaphore(%arg5 : memref<!tpu.dma_semaphore, #tpu.memory_space<semaphore_mem>>)
    %dma_start3A_131 = arith.constant 0 : i32
    %dma_start3A_132 = arith.constant 0 : i32
    %dma_start3A_133 = tpu.memref_slice %arg3[%add3A_88, %dma_start3A_131, %dma_start3A_132] : memref<1024x200x128xf32, #tpu.memory_space<hbm>> -> memref<4x200x128xf32, #tpu.memory_space<hbm>>
    %dma_start3A_134 = arith.constant 0 : i32
    %dma_start3A_135 = arith.constant 0 : i32
    %dma_start3A_136 = tpu.memref_slice %arg3[%add3A_88, %dma_start3A_134, %dma_start3A_135] : memref<1024x200x128xf32, #tpu.memory_space<hbm>> -> memref<4x200x128xf32, #tpu.memory_space<hbm>>
    tpu.enqueue_dma source(%arg4 : memref<4x200x128xf32, #tpu.memory_space<vmem>>) target(%dma_start3A_136 : memref<4x200x128xf32, #tpu.memory_space<hbm>>) target_semaphore(%arg5 : memref<!tpu.dma_semaphore, #tpu.memory_space<semaphore_mem>>)
    %dma_wait3A_137 = arith.constant 0 : i32
    %dma_wait3A_138 = arith.constant 0 : i32
    %dma_wait3A_139 = tpu.memref_slice %arg3[%add3A_74, %dma_wait3A_137, %dma_wait3A_138] : memref<1024x200x128xf32, #tpu.memory_space<hbm>> -> memref<4x200x128xf32, #tpu.memory_space<hbm>>
    %dma_wait3A_140 = arith.constant 0 : i32
    %dma_wait3A_141 = arith.constant 0 : i32
    %dma_wait3A_142 = tpu.memref_slice %arg3[%add3A_74, %dma_wait3A_140, %dma_wait3A_141] : memref<1024x200x128xf32, #tpu.memory_space<hbm>> -> memref<4x200x128xf32, #tpu.memory_space<hbm>>
    tpu.wait_dma2 semaphore(%arg5 : memref<!tpu.dma_semaphore, #tpu.memory_space<semaphore_mem>>) src(%arg4 : memref<4x200x128xf32, #tpu.memory_space<vmem>>) dst(%dma_wait3A_142 : memref<4x200x128xf32, #tpu.memory_space<hbm>>)
    %dma_wait3A_143 = arith.constant 0 : i32
    %dma_wait3A_144 = arith.constant 0 : i32
    %dma_wait3A_145 = tpu.memref_slice %arg3[%add3A_76, %dma_wait3A_143, %dma_wait3A_144] : memref<1024x200x128xf32, #tpu.memory_space<hbm>> -> memref<4x200x128xf32, #tpu.memory_space<hbm>>
    %dma_wait3A_146 = arith.constant 0 : i32
    %dma_wait3A_147 = arith.constant 0 : i32
    %dma_wait3A_148 = tpu.memref_slice %arg3[%add3A_76, %dma_wait3A_146, %dma_wait3A_147] : memref<1024x200x128xf32, #tpu.memory_space<hbm>> -> memref<4x200x128xf32, #tpu.memory_space<hbm>>
    tpu.wait_dma2 semaphore(%arg5 : memref<!tpu.dma_semaphore, #tpu.memory_space<semaphore_mem>>) src(%arg4 : memref<4x200x128xf32, #tpu.memory_space<vmem>>) dst(%dma_wait3A_148 : memref<4x200x128xf32, #tpu.memory_space<hbm>>)
    %dma_wait3A_149 = arith.constant 0 : i32
    %dma_wait3A_150 = arith.constant 0 : i32
    %dma_wait3A_151 = tpu.memref_slice %arg3[%add3A_78, %dma_wait3A_149, %dma_wait3A_150] : memref<1024x200x128xf32, #tpu.memory_space<hbm>> -> memref<4x200x128xf32, #tpu.memory_space<hbm>>
    %dma_wait3A_152 = arith.constant 0 : i32
    %dma_wait3A_153 = arith.constant 0 : i32
    %dma_wait3A_154 = tpu.memref_slice %arg3[%add3A_78, %dma_wait3A_152, %dma_wait3A_153] : memref<1024x200x128xf32, #tpu.memory_space<hbm>> -> memref<4x200x128xf32, #tpu.memory_space<hbm>>
    tpu.wait_dma2 semaphore(%arg5 : memref<!tpu.dma_semaphore, #tpu.memory_space<semaphore_mem>>) src(%arg4 : memref<4x200x128xf32, #tpu.memory_space<vmem>>) dst(%dma_wait3A_154 : memref<4x200x128xf32, #tpu.memory_space<hbm>>)
    %dma_wait3A_155 = arith.constant 0 : i32
    %dma_wait3A_156 = arith.constant 0 : i32
    %dma_wait3A_157 = tpu.memref_slice %arg3[%add3A_80, %dma_wait3A_155, %dma_wait3A_156] : memref<1024x200x128xf32, #tpu.memory_space<hbm>> -> memref<4x200x128xf32, #tpu.memory_space<hbm>>
    %dma_wait3A_158 = arith.constant 0 : i32
    %dma_wait3A_159 = arith.constant 0 : i32
    %dma_wait3A_160 = tpu.memref_slice %arg3[%add3A_80, %dma_wait3A_158, %dma_wait3A_159] : memref<1024x200x128xf32, #tpu.memory_space<hbm>> -> memref<4x200x128xf32, #tpu.memory_space<hbm>>
    tpu.wait_dma2 semaphore(%arg5 : memref<!tpu.dma_semaphore, #tpu.memory_space<semaphore_mem>>) src(%arg4 : memref<4x200x128xf32, #tpu.memory_space<vmem>>) dst(%dma_wait3A_160 : memref<4x200x128xf32, #tpu.memory_space<hbm>>)
    %dma_wait3A_161 = arith.constant 0 : i32
    %dma_wait3A_162 = arith.constant 0 : i32
    %dma_wait3A_163 = tpu.memref_slice %arg3[%add3A_82, %dma_wait3A_161, %dma_wait3A_162] : memref<1024x200x128xf32, #tpu.memory_space<hbm>> -> memref<4x200x128xf32, #tpu.memory_space<hbm>>
    %dma_wait3A_164 = arith.constant 0 : i32
    %dma_wait3A_165 = arith.constant 0 : i32
    %dma_wait3A_166 = tpu.memref_slice %arg3[%add3A_82, %dma_wait3A_164, %dma_wait3A_165] : memref<1024x200x128xf32, #tpu.memory_space<hbm>> -> memref<4x200x128xf32, #tpu.memory_space<hbm>>
    tpu.wait_dma2 semaphore(%arg5 : memref<!tpu.dma_semaphore, #tpu.memory_space<semaphore_mem>>) src(%arg4 : memref<4x200x128xf32, #tpu.memory_space<vmem>>) dst(%dma_wait3A_166 : memref<4x200x128xf32, #tpu.memory_space<hbm>>)
    %dma_wait3A_167 = arith.constant 0 : i32
    %dma_wait3A_168 = arith.constant 0 : i32
    %dma_wait3A_169 = tpu.memref_slice %arg3[%add3A_84, %dma_wait3A_167, %dma_wait3A_168] : memref<1024x200x128xf32, #tpu.memory_space<hbm>> -> memref<4x200x128xf32, #tpu.memory_space<hbm>>
    %dma_wait3A_170 = arith.constant 0 : i32
    %dma_wait3A_171 = arith.constant 0 : i32
    %dma_wait3A_172 = tpu.memref_slice %arg3[%add3A_84, %dma_wait3A_170, %dma_wait3A_171] : memref<1024x200x128xf32, #tpu.memory_space<hbm>> -> memref<4x200x128xf32, #tpu.memory_space<hbm>>
    tpu.wait_dma2 semaphore(%arg5 : memref<!tpu.dma_semaphore, #tpu.memory_space<semaphore_mem>>) src(%arg4 : memref<4x200x128xf32, #tpu.memory_space<vmem>>) dst(%dma_wait3A_172 : memref<4x200x128xf32, #tpu.memory_space<hbm>>)
    %dma_wait3A_173 = arith.constant 0 : i32
    %dma_wait3A_174 = arith.constant 0 : i32
    %dma_wait3A_175 = tpu.memref_slice %arg3[%add3A_86, %dma_wait3A_173, %dma_wait3A_174] : memref<1024x200x128xf32, #tpu.memory_space<hbm>> -> memref<4x200x128xf32, #tpu.memory_space<hbm>>
    %dma_wait3A_176 = arith.constant 0 : i32
    %dma_wait3A_177 = arith.constant 0 : i32
    %dma_wait3A_178 = tpu.memref_slice %arg3[%add3A_86, %dma_wait3A_176, %dma_wait3A_177] : memref<1024x200x128xf32, #tpu.memory_space<hbm>> -> memref<4x200x128xf32, #tpu.memory_space<hbm>>
    tpu.wait_dma2 semaphore(%arg5 : memref<!tpu.dma_semaphore, #tpu.memory_space<semaphore_mem>>) src(%arg4 : memref<4x200x128xf32, #tpu.memory_space<vmem>>) dst(%dma_wait3A_178 : memref<4x200x128xf32, #tpu.memory_space<hbm>>)
    %dma_wait3A_179 = arith.constant 0 : i32
    %dma_wait3A_180 = arith.constant 0 : i32
    %dma_wait3A_181 = tpu.memref_slice %arg3[%add3A_88, %dma_wait3A_179, %dma_wait3A_180] : memref<1024x200x128xf32, #tpu.memory_space<hbm>> -> memref<4x200x128xf32, #tpu.memory_space<hbm>>
    %dma_wait3A_182 = arith.constant 0 : i32
    %dma_wait3A_183 = arith.constant 0 : i32
    %dma_wait3A_184 = tpu.memref_slice %arg3[%add3A_88, %dma_wait3A_182, %dma_wait3A_183] : memref<1024x200x128xf32, #tpu.memory_space<hbm>> -> memref<4x200x128xf32, #tpu.memory_space<hbm>>
    tpu.wait_dma2 semaphore(%arg5 : memref<!tpu.dma_semaphore, #tpu.memory_space<semaphore_mem>>) src(%arg4 : memref<4x200x128xf32, #tpu.memory_space<vmem>>) dst(%dma_wait3A_184 : memref<4x200x128xf32, #tpu.memory_space<hbm>>)
    return
  }
}

</mosaic_0001>

<sc_bundles>
// kernel: kernel.3.cloned.1.call-start
scs
__scs_entry_jumppad:
0x0: {  	(pc) =	sbr.rel $0x88, $3  }
0x1: {  	(tag) =	ssettag $0x0;
	lr =	simm.s32 $0x1  }
0x2: {  	[smem:$0x3FA0] =	sst lr;
	_ =	strace $0xD0000000  }
0x3: {  	_ = 	snop  }
0x4: {  	_ = 	snop  }
0x5: {  	_ = 	snop  }
0x6: {  	_ = 	snop  }
0x7: {  	_ = 	snop  }
__scs_overlays_trampoline_lowered:
0x8: {  	[smem:$0x3FAF] =	sst s0  }
0x9: {  	[smem:$0x3FB0] =	sst s1  }
0xa: {  	[smem:$0x3FB1] =	sst s2  }
0xb: {  	[smem:$0x3FB2] =	sst s3  }
0xc: {  	[smem:$0x3FB3] =	sst s4  }
0xd: {  	[smem:$0x3FB4] =	sst s5  }
0xe: {  	[smem:$0x3FB5] =	sst s6  }
0xf: {  	[smem:$0x3FB6] =	sst s7  }
0x10: {  	[smem:$0x3FB7] =	sst s8  }
0x11: {  	[smem:$0x3FB8] =	sst s9;
	s0 =	simm.s32 @!p0 $0x0  }
0x12: {  	s1 =	sld [smem:$0x3F9E];
	s0 =	simm.s32 @p0 $0x1  }
0x13: {  	[smem:$0x3FB9] =	sst s0;
	s0 =	simm.s32 @!p1 $0x0  }
0x14: {  	s2 =	sld [smem:$0x3F9D];
	s0 =	simm.s32 @p1 $0x1  }
0x15: {  	[smem:$0x3FBA] =	sst s0;
	s0 =	simm.s32 @!p2 $0x0  }
0x16: {  	s3 =	sld [smem:$0x3FDB];
	s0 =	simm.s32 @p2 $0x1  }
0x17: {  	s4 =	simm.s32 $0x1BF5;
	[smem:$0x3FBC] =	sst s0  }
0x18: {  	s0 =	sld [smem:$0x3F9F];
	_ =	swait.ge [sflag:s4], $0x0  }
0x19: {  	s7 =	sld [smem:$0x3FA0]  }
0x1a: {  	s8 =	sadd.s32 $0xFFFFE003, lr  }
0x1b: {  	s9 =	sadd.s32 $0xFFFFFEF7, lr;
	s5 =	simm.s32 $0xFFFFFFFF;
	p2 =	slt.u32 s8, $0xFFFFF086  }
0x1c: {  	p1 =	slt.u32 s9, $0xF7A;
	s5 =	simm.s32 @!p2 $0x0  }
0x1d: {  	s5 =	simm.s32 @p1 $0x1;
	p0 =	seq.s32 s7, s2  }
0x1e: {  	s7 =	smul.u32 @!p0 $0xF7A, s2;
	p2 =	seq.s32 @!p0 s5, $0x0  }
0x1f: {  	s9 =	smul.u32 $0xF7A, s1;
	s8 =	simm.s32 @!p0 $0x1BF5;
	p2 =	por !p2, p0  }
0x20: {  	[sflag:s8] =	ssyncset.s32 @!p0 $0xFFFFF086;
	s6 =	sadd.s32 @!p0 s3, s7;
	s7 =	simm.s32 @!p0 $0x108  }
0x21: {  	s3 =	sadd.s32 s3, s9;
	s6 =	sadd.s32 @!p0 $0x88, s6;
	s7 =	simm.s32 @p2 $0x1082  }
0x22: {  	[simem:s7], [sflag:s8] =	dma.local @!p0 [hbm:s6], $0xF7A  }
0x23: {  	s9 =	sor.u32 $0xD0000000, s2;
	s6 =	simm.s32 $0x108;
	_ =	swait.ge @!p0 [sflag:s8], $0x0  }
0x24: {  	s3 =	sadd.s32 $0x88, s3;
	s6 =	simm.s32 @!p1 $0x1082;
	[sflag:s4] =	ssyncset.s32 $0xFFFFF086  }
0x25: {  	[simem:s6], [sflag:s4] =	dma.local [hbm:s3], $0xF7A  }
0x26: {  	[smem:$0x3FA0] =	sst s1;
	(tag) =	ssettag s2;
	_ =	strace s9  }
0x27: {  	s1 =	sld [smem:$0x3FB0]  }
0x28: {  	s2 =	sld [smem:$0x3FB1]  }
0x29: {  	s4 =	sld [smem:$0x3FB3]  }
0x2a: {  	p0 =	seq.s32 s5, $0x0;
	s5 =	sld [smem:$0x3FB4]  }
0x2b: {  	s6 =	sld [smem:$0x3FB5]  }
0x2c: {  	s7 =	sld [smem:$0x3FB6]  }
0x2d: {  	s3 =	simm.s32 $0x108;
	s8 =	sld [smem:$0x3FB7]  }
0x2e: {  	s3 =	simm.s32 @!p0 $0x1082;
	s9 =	sld [smem:$0x3FB8]  }
0x2f: {  	lr =	sadd.s32 s0, s3;
	s0 =	sld [smem:$0x3FAF]  }
0x30: {  	s3 =	sld [smem:$0x3FB2]  }
0x31: {  	[smem:$0x3FBB] =	sst s10  }
0x32: {  	s10 =	sld [smem:$0x3FB9];
	_ =	sdelay $0x3  }
0x33: {  	p0 =	seq.s32 s10, $0x1;
	s10 =	sld [smem:$0x3FBB];
	_ =	sdelay $0x3  }
0x34: {  	[smem:$0x3FBB] =	sst s10  }
0x35: {  	s10 =	sld [smem:$0x3FBA];
	_ =	sdelay $0x3  }
0x36: {  	p1 =	seq.s32 s10, $0x1;
	s10 =	sld [smem:$0x3FBB];
	_ =	sdelay $0x3  }
0x37: {  	[smem:$0x3FBB] =	sst s10  }
0x38: {  	s10 =	sld [smem:$0x3FBC]  }
0x39: {  	_ = 	snop;
	(pc) =	sbr.ind lr, $3  }
0x3a: {  	_ = 	snop  }
0x3b: {  	_ = 	snop  }
0x3c: {  	p2 =	seq.s32 s10, $0x1;
	s10 =	sld [smem:$0x3FBB]  }
0x3d: {  	_ =	shalt  }
0x3e: {  	_ =	shalt  }
0x3f: {  	_ =	shalt  }
0x40: {  	_ =	shalt  }
0x41: {  	_ =	shalt  }
0x42: {  	_ =	shalt  }
0x43: {  	_ =	shalt  }
0x44: {  	_ =	shalt  }
0x45: {  	_ =	shalt  }
0x46: {  	_ =	shalt  }
0x47: {  	_ =	shalt  }
0x48: {  	_ =	shalt  }
0x49: {  	_ =	shalt  }
0x4a: {  	_ =	shalt  }
0x4b: {  	_ =	shalt  }
0x4c: {  	_ =	shalt  }
0x4d: {  	_ =	shalt  }
0x4e: {  	_ =	shalt  }
0x4f: {  	_ =	shalt  }
0x50: {  	_ =	shalt  }
0x51: {  	_ =	shalt  }
0x52: {  	_ =	shalt  }
0x53: {  	_ =	shalt  }
0x54: {  	_ =	shalt  }
0x55: {  	_ =	shalt  }
0x56: {  	_ =	shalt  }
0x57: {  	_ =	shalt  }
0x58: {  	_ =	shalt  }
0x59: {  	_ =	shalt  }
0x5a: {  	_ =	shalt  }
0x5b: {  	_ =	shalt  }
0x5c: {  	_ =	shalt  }
0x5d: {  	_ =	shalt  }
0x5e: {  	_ =	shalt  }
0x5f: {  	_ =	shalt  }
0x60: {  	_ =	shalt  }
0x61: {  	_ =	shalt  }
0x62: {  	_ =	shalt  }
0x63: {  	_ =	shalt  }
0x64: {  	_ =	shalt  }
0x65: {  	_ =	shalt  }
0x66: {  	_ =	shalt  }
0x67: {  	_ =	shalt  }
0x68: {  	_ =	shalt  }
0x69: {  	_ =	shalt  }
0x6a: {  	_ =	shalt  }
0x6b: {  	_ =	shalt  }
0x6c: {  	_ =	shalt  }
0x6d: {  	_ =	shalt  }
0x6e: {  	_ =	shalt  }
0x6f: {  	_ =	shalt  }
0x70: {  	_ =	shalt  }
0x71: {  	_ =	shalt  }
0x72: {  	_ =	shalt  }
0x73: {  	_ =	shalt  }
0x74: {  	_ =	shalt  }
0x75: {  	_ =	shalt  }
0x76: {  	_ =	shalt  }
0x77: {  	_ =	shalt  }
0x78: {  	_ =	shalt  }
0x79: {  	_ =	shalt  }
0x7a: {  	_ =	shalt  }
0x7b: {  	_ =	shalt  }
0x7c: {  	_ =	shalt  }
0x7d: {  	_ =	shalt  }
0x7e: {  	_ =	shalt  }
0x7f: {  	_ =	shalt  }
0x80: {  	_ =	shalt  }
0x81: {  	_ =	shalt  }
0x82: {  	_ =	shalt  }
0x83: {  	_ =	shalt  }
0x84: {  	_ =	shalt  }
0x85: {  	_ =	shalt  }
0x86: {  	_ =	shalt  }
0x87: {  	_ =	shalt  }
.Lfunc_end0:
.L_simem_size_0:
called_computation_lowered:
.L_overlay_start_0:
0x88: {  	s2 =	sld [smem:$0x3FD9]  }
0x89: {  	s3 =	sld [smem:$0x3FFE];
	_ =	sdelay $0x1  }
0x8a: {  	s1 =	srdreg.scid  }
0x8b: {  	s0 =	sand.u32 $0x1, s1  }
0x8c: {  	s18 =	sshll.u32 s0, $0xA;
	s2 =	sadd.s32 s3, s2  }
0x8d: {  	s2 =	sadd.s32 s2, s18  }
0x8e: {  	[smem:$0x3FC7] =	sst s2  }
0x8f: {  	_ = 	snop  }
0x90: {  	s2 =	sld [smem:$0x3FC9]  }
0x91: {  	s19 =	sld [smem:$0x3FD0];
	(tm) =	ssettm $0x1  }
0x92: {  	s4 =	sld [smem:$0x3FFB];
	_ =	sdelay $0x3  }
0x93: {  	_ =	strace s4  }
0x94: {  	s4 =	sld [smem:$0x3FFC];
	_ =	sdelay $0x3  }
0x95: {  	_ =	strace s4  }
0x96: {  	s4 =	sld [smem:$0x3FFD];
	_ =	sdelay $0x3  }
0x97: {  	_ =	strace s4  }
0x98: {  	_ =	strace $0x8FFFFFFF  }
0x99: {  	s20 =	sld [smem:$0x3FDB];
	_ =	sdelay $0x1  }
0x9a: {  	s5 =	simm.s32 $_scs_section_size  }
0x9b: {  	s6 =	simm.s32 $_size__tile_overlayer_lowered;
	s7 =	simm.s32 $_tile_overlayer_lowered  }
0x9c: {  	s23 =	simm.s32 $0x1BFF;
	s22 =	sshll.u32 s7, $0x1;
	s4 =	sadd.s32 s5, s20  }
0x9d: {  	s8 =	simm.s32 $0x0;
	s21 =	sshll.u32 s6, $0x1;
	s6 =	sadd.s32 s22, s4  }
0x9e: {  	[timem:s8], [sflag:s23] =	dma.local [hbm:s6], s21  }
0x9f: {  	_ =	swait.ge [sflag:s23], s21  }
0xa0: {  	s5 =	ssub.s32 $0x0, s21;
	[sflag:s23] =	ssyncset.done $0x0  }
0xa1: {  	[sflag:s23] =	ssyncadd.s32 s5;
	_ =	sdelay $0x1  }
0xa2: {  	s24 =	simm.s32 $0x1B8B  }
0xa3: {  	_ =	swait.ge [sflag:s24], $0x1  }
0xa4: {  	[sflag:s24] =	ssyncset.done $0x0  }
0xa5: {  	s25 =	simm.s32 $0x1B8E;
	[sflag:s24] =	ssyncadd.s32 $0xFFFFFFFF  }
0xa6: {  	s26 =	simm.s32 $execute0_lowered;
	[smem:$0x3FD2] =	sst s25  }
0xa7: {  	s5 =	sshll.u32 s26, $0x1;
	_ =	strace $0x80000046;
	[dreg:$0x1] =	wrdreg $0xFFFFFFFF  }
0xa8: {  	s28 =	simm.s32 $_size_execute0_lowered;
	s4 =	sadd.s32 s4, s5;
	[dreg:$0x0] =	wrdreg $0x0  }
0xa9: {  	s5 =	sshll.u32 s28, $0x1;
	[dreg:$0x2] =	wrdreg s4  }
0xaa: {  	[dreg:$0x3] =	wrdreg s5  }
0xab: {  	[dreg:$0x4] =	wrdreg $0xC0  }
0xac: {  	_ =	task [dreg:s8], $0x5FFFF  }
0xad: {  	[dreg:$0x1] =	wrdreg $0xFFFFFFFF  }
0xae: {  	[dreg:$0x0] =	wrdreg $0x60  }
0xaf: {  	[dreg:$0x2] =	wrdreg s2  }
0xb0: {  	[dreg:$0x3] =	wrdreg s19  }
0xb1: {  	[dreg:$0x4] =	wrdreg $0x9  }
0xb2: {  	_ =	task.clear_ibuf [dreg:s8], $0x5FFFF;
	_ =	strace $0x90000046  }
0xb3: {  	s29 =	simm.s32 $0x9;
	_ =	strace $0x80000048  }
0xb4: {  	_ =	swait.ge [sflag:s29], $0x1  }
0xb5: {  	[sflag:s29] =	ssyncadd.s32 $0xFFFFFFFF  }
0xb6: {  	_ =	strace $0x90000048  }
0xb7: {  	_ =	sfence  }
0xb8: {  	s30 =	sld [smem:$0x0];
	_ =	sdelay $0x2  }
0xb9: {  	s31 =	sshll.u32 s1, $0xD;
	s1 =	sshrl.u32 s1, $0x2  }
0xba: {  	s3 =	sand.u32 $0x4000, s31;
	s1 =	sadd.s32 s1, s30  }
0xbb: {  	s0 =	sor.u32 s3, s0;
	s1 =	sshll.u32 s1, $0x11  }
0xbc: {  	s0 =	sor.u32 s1, s0  }
0xbd: {  	s0 =	sadd.s32 $0x8F2B, s0  }
0xbe: {  	[sflag:s0] =	ssyncadd.remote.s32 $0x1  }
0xbf: {  	_ =	sfence.sel $0xFFFF  }
0xc0: {  	[dreg:$0x0] =	wrdreg $0xFFFFFFFF;
	(pc) =	sbr.abs _section_cstart, $3  }
0xc1: {  	[dreg:$0x1] =	wrdreg $0xFFFFFFFF  }
0xc2: {  	_ =	task.clear_ibuf [dreg:s8], $0x2FFFF;
	_ =	strace $0x9FFFFFFF  }
0xc3: {  	(tm) =	ssettm $0x7FFFFFFF  }
tec
execute0_lowered:
.L_overlay_start_1:
0x0: {  	(tag) =	ssettag $0x1  }
0x1: {  	s1 =	rddreg [dreg:$0x0]  }
0x2: {  	s9 =	rddreg [dreg:$0x1];
	s2 =	simm.s32 $0x0  }
0x3: {  	[smem:$0x7FF] =	sst s2  }
0x4: {  	s0 =	rddreg [dreg:$0x2];
	_ =	strace $0x80000047  }
0x5: {  	[tilespmem:s2], [sflag:$0x1] =	stream.linear.gather [hbm4b:s1+s2], $0x6400, $0x38;
	[tilespmem:$0x19000] =	vst v63  }
0x6: {  	s3 =	simm.s32 $0x6400  }
0x7: {  	[tilespmem:s3], [sflag:$0x1] =	stream.linear.gather [hbm4b:s1+s2], $0x6400, $0x38;
	[tilespmem:$0x19000] =	vst v63  }
0x8: {  	s4 =	simm.s32 $0xC800  }
0x9: {  	[tilespmem:s4], [sflag:$0x1] =	stream.linear.gather [hbm4b:s1+s2], $0x6400, $0x38;
	[tilespmem:$0x19000] =	vst v63  }
0xa: {  	s6 =	simm.s32 $0x12C00;
	s5 =	simm.s32 $0x1  }
0xb: {  	[tilespmem:s6], [sflag:$0x1] =	stream.linear.gather [hbm4b:s1+s2], $0x6400, $0x38;
	[tilespmem:$0x19000] =	vst v63  }
0xc: {  	_ =	swait.ge [sflag:s5], $0x6400  }
0xd: {  	[sflag:s5] =	ssyncset.done $0x0  }
0xe: {  	[sflag:s5] =	ssyncadd.s32 $0xFFFF9C00  }
0xf: {  	_ =	swait.ge [sflag:s5], $0x6400  }
0x10: {  	s8 =	srdreg.scid;
	[sflag:s5] =	ssyncset.done $0x0  }
0x11: {  	s7 =	stileid.u32;
	s16 =	sand.u32 $0x1, s8;
	[sflag:s5] =	ssyncadd.s32 $0xFFFF9C00  }
0x12: {  	s31 =	sshll.u32 s7, $0x6;
	s10 =	sshll.u32 s16, $0x5;
	_ =	swait.ge [sflag:s5], $0x6400  }
0x13: {  	s8 =	sor.u32 s10, s31;
	[sflag:s5] =	ssyncset.done $0x0  }
0x14: {  	s10 =	smul.u32 $0x6400, s8;
	[sflag:s5] =	ssyncadd.s32 $0xFFFF9C00  }
0x15: {  	s8 =	smul.u32 $0xC80, s8;
	_ =	swait.ge [sflag:s5], $0x6400  }
0x16: {  	s10 =	sshrl.u32 s10, $0x3;
	[sflag:s5] =	ssyncset.done $0x0  }
0x17: {  	s8 =	sadd.s32 s9, s8;
	s15 =	sadd.s32 s9, s10;
	[sflag:s5] =	ssyncadd.s32 $0xFFFF9C00  }
0x18: {  	[hbm4b:s8+s2] =	stream.linear.scatter [tilespmem:s2], [sflag:$0x1], $0x19000, $0x38;
	[tilespmem:$0x19000] =	vst v63  }
0x19: {  	s9 =	sadd.s32 $0x3200, s15  }
0x1a: {  	[hbm4b:s9+s2] =	stream.linear.scatter [tilespmem:s2], [sflag:$0x1], $0x19000, $0x38;
	[tilespmem:$0x19000] =	vst v63  }
0x1b: {  	s10 =	sadd.s32 $0x6400, s15  }
0x1c: {  	[hbm4b:s10+s2] =	stream.linear.scatter [tilespmem:s2], [sflag:$0x1], $0x19000, $0x38;
	[tilespmem:$0x19000] =	vst v63  }
0x1d: {  	s11 =	sadd.s32 $0x9600, s15  }
0x1e: {  	[hbm4b:s11+s2] =	stream.linear.scatter [tilespmem:s2], [sflag:$0x1], $0x19000, $0x38;
	[tilespmem:$0x19000] =	vst v63  }
0x1f: {  	s12 =	sadd.s32 $0xC800, s15  }
0x20: {  	[hbm4b:s12+s2] =	stream.linear.scatter [tilespmem:s2], [sflag:$0x1], $0x19000, $0x38;
	[tilespmem:$0x19000] =	vst v63  }
0x21: {  	s13 =	sadd.s32 $0xFA00, s15  }
0x22: {  	[hbm4b:s13+s2] =	stream.linear.scatter [tilespmem:s2], [sflag:$0x1], $0x19000, $0x38;
	[tilespmem:$0x19000] =	vst v63  }
0x23: {  	s14 =	sadd.s32 $0x12C00, s15  }
0x24: {  	[hbm4b:s14+s2] =	stream.linear.scatter [tilespmem:s2], [sflag:$0x1], $0x19000, $0x38;
	[tilespmem:$0x19000] =	vst v63  }
0x25: {  	s15 =	sadd.s32 $0x15E00, s15  }
0x26: {  	[hbm4b:s15+s2] =	stream.linear.scatter [tilespmem:s2], [sflag:$0x1], $0x19000, $0x38;
	[tilespmem:$0x19000] =	vst v63  }
0x27: {  	_ =	swait.ge [sflag:s5], $0x19000  }
0x28: {  	[sflag:s5] =	ssyncset.done $0x0  }
0x29: {  	[sflag:s5] =	ssyncadd.s32 $0xFFFE7000  }
0x2a: {  	_ =	swait.ge [sflag:s5], $0x19000  }
0x2b: {  	[sflag:s5] =	ssyncset.done $0x0  }
0x2c: {  	[sflag:s5] =	ssyncadd.s32 $0xFFFE7000  }
0x2d: {  	_ =	swait.ge [sflag:s5], $0x19000  }
0x2e: {  	[sflag:s5] =	ssyncset.done $0x0  }
0x2f: {  	[sflag:s5] =	ssyncadd.s32 $0xFFFE7000  }
0x30: {  	_ =	swait.ge [sflag:s5], $0x19000  }
0x31: {  	[sflag:s5] =	ssyncset.done $0x0  }
0x32: {  	[sflag:s5] =	ssyncadd.s32 $0xFFFE7000  }
0x33: {  	_ =	swait.ge [sflag:s5], $0x19000  }
0x34: {  	s16 =	ssub.s32 $0x2, s16;
	[sflag:s5] =	ssyncset.done $0x0  }
0x35: {  	s17 =	sshrl.u32 s16, $0x1;
	[sflag:s5] =	ssyncadd.s32 $0xFFFE7000  }
0x36: {  	s16 =	ssub.s32 s16, s17;
	_ =	swait.ge [sflag:s5], $0x19000  }
0x37: {  	s16 =	smax.u32 s16, $0x1;
	[sflag:s5] =	ssyncset.done $0x0  }
0x38: {  	p0 =	sne.s32 s16, $0x1;
	[sflag:s5] =	ssyncadd.s32 $0xFFFE7000  }
.Ltmp0:
0x39: {  	_ =	swait.ge [sflag:s5], $0x19000;
	(pc) =	sbr.rel @!p0 .LBB2_2-.Ltmp0, $4  }
0x3a: {  	[sflag:s5] =	ssyncset.done $0x0  }
0x3b: {  	[sflag:s5] =	ssyncadd.s32 $0xFFFE7000  }
0x3c: {  	_ =	swait.ge [sflag:s5], $0x19000  }
0x3d: {  	s16 =	sadd.s32 $0xFFFFFFFF, s16;
	[sflag:s5] =	ssyncset.done $0x0  }
.LBB2_1:
0x3e: {  	p0 =	sne.s32 s16, $0x1;
	s16 =	sadd.s32 $0xFFFFFFFF, s16;
	[sflag:s5] =	ssyncadd.s32 $0xFFFE7000  }
0x3f: {  	[tilespmem:s2], [sflag:$0x1] =	stream.linear.gather [hbm4b:s1+s2], $0x6400, $0x38;
	[tilespmem:$0x19000] =	vst v63  }
0x40: {  	_ = 	snop  }
0x41: {  	[tilespmem:s3], [sflag:$0x1] =	stream.linear.gather [hbm4b:s1+s2], $0x6400, $0x38;
	[tilespmem:$0x19000] =	vst v63  }
0x42: {  	_ = 	snop  }
0x43: {  	[tilespmem:s4], [sflag:$0x1] =	stream.linear.gather [hbm4b:s1+s2], $0x6400, $0x38;
	[tilespmem:$0x19000] =	vst v63  }
0x44: {  	_ = 	snop  }
0x45: {  	[tilespmem:s6], [sflag:$0x1] =	stream.linear.gather [hbm4b:s1+s2], $0x6400, $0x38;
	[tilespmem:$0x19000] =	vst v63  }
0x46: {  	_ =	swait.ge [sflag:s5], $0x6400  }
0x47: {  	[sflag:s5] =	ssyncset.done $0x0  }
0x48: {  	[sflag:s5] =	ssyncadd.s32 $0xFFFF9C00  }
0x49: {  	_ =	swait.ge [sflag:s5], $0x6400  }
0x4a: {  	[sflag:s5] =	ssyncset.done $0x0  }
0x4b: {  	[sflag:s5] =	ssyncadd.s32 $0xFFFF9C00  }
0x4c: {  	_ =	swait.ge [sflag:s5], $0x6400  }
0x4d: {  	[sflag:s5] =	ssyncset.done $0x0  }
0x4e: {  	[sflag:s5] =	ssyncadd.s32 $0xFFFF9C00  }
0x4f: {  	_ =	swait.ge [sflag:s5], $0x6400  }
0x50: {  	[sflag:s5] =	ssyncset.done $0x0  }
0x51: {  	[sflag:s5] =	ssyncadd.s32 $0xFFFF9C00  }
0x52: {  	[hbm4b:s8+s2] =	stream.linear.scatter [tilespmem:s2], [sflag:$0x1], $0x19000, $0x38;
	[tilespmem:$0x19000] =	vst v63  }
0x53: {  	_ = 	snop  }
0x54: {  	[hbm4b:s9+s2] =	stream.linear.scatter [tilespmem:s2], [sflag:$0x1], $0x19000, $0x38;
	[tilespmem:$0x19000] =	vst v63  }
0x55: {  	_ = 	snop  }
0x56: {  	[hbm4b:s10+s2] =	stream.linear.scatter [tilespmem:s2], [sflag:$0x1], $0x19000, $0x38;
	[tilespmem:$0x19000] =	vst v63  }
0x57: {  	_ = 	snop  }
0x58: {  	[hbm4b:s11+s2] =	stream.linear.scatter [tilespmem:s2], [sflag:$0x1], $0x19000, $0x38;
	[tilespmem:$0x19000] =	vst v63  }
0x59: {  	_ = 	snop  }
0x5a: {  	[hbm4b:s12+s2] =	stream.linear.scatter [tilespmem:s2], [sflag:$0x1], $0x19000, $0x38;
	[tilespmem:$0x19000] =	vst v63  }
0x5b: {  	_ = 	snop  }
0x5c: {  	[hbm4b:s13+s2] =	stream.linear.scatter [tilespmem:s2], [sflag:$0x1], $0x19000, $0x38;
	[tilespmem:$0x19000] =	vst v63  }
0x5d: {  	_ = 	snop  }
0x5e: {  	[hbm4b:s14+s2] =	stream.linear.scatter [tilespmem:s2], [sflag:$0x1], $0x19000, $0x38;
	[tilespmem:$0x19000] =	vst v63  }
0x5f: {  	_ = 	snop  }
0x60: {  	[hbm4b:s15+s2] =	stream.linear.scatter [tilespmem:s2], [sflag:$0x1], $0x19000, $0x38;
	[tilespmem:$0x19000] =	vst v63  }
0x61: {  	_ =	swait.ge [sflag:s5], $0x19000  }
0x62: {  	[sflag:s5] =	ssyncset.done $0x0  }
0x63: {  	[sflag:s5] =	ssyncadd.s32 $0xFFFE7000  }
0x64: {  	_ =	swait.ge [sflag:s5], $0x19000  }
0x65: {  	[sflag:s5] =	ssyncset.done $0x0  }
0x66: {  	[sflag:s5] =	ssyncadd.s32 $0xFFFE7000  }
0x67: {  	_ =	swait.ge [sflag:s5], $0x19000  }
0x68: {  	[sflag:s5] =	ssyncset.done $0x0  }
0x69: {  	[sflag:s5] =	ssyncadd.s32 $0xFFFE7000  }
0x6a: {  	_ =	swait.ge [sflag:s5], $0x19000  }
0x6b: {  	[sflag:s5] =	ssyncset.done $0x0  }
0x6c: {  	[sflag:s5] =	ssyncadd.s32 $0xFFFE7000  }
0x6d: {  	_ =	swait.ge [sflag:s5], $0x19000  }
0x6e: {  	[sflag:s5] =	ssyncset.done $0x0  }
0x6f: {  	[sflag:s5] =	ssyncadd.s32 $0xFFFE7000  }
0x70: {  	_ =	swait.ge [sflag:s5], $0x19000  }
0x71: {  	[sflag:s5] =	ssyncset.done $0x0  }
0x72: {  	[sflag:s5] =	ssyncadd.s32 $0xFFFE7000  }
.Ltmp1:
0x73: {  	_ =	swait.ge [sflag:s5], $0x19000;
	(pc) =	sbr.rel @p0 .LBB2_1-.Ltmp1, $4  }
0x74: {  	[sflag:s5] =	ssyncset.done $0x0  }
0x75: {  	[sflag:s5] =	ssyncadd.s32 $0xFFFE7000  }
0x76: {  	_ =	swait.ge [sflag:s5], $0x19000  }
0x77: {  	[sflag:s5] =	ssyncset.done $0x0  }
.LBB2_2:
0x78: {  	[sflag:s5] =	ssyncadd.s32 $0xFFFE7000  }
0x79: {  	_ =	sfence.sel $0x180000  }
0x7a: {  	[bflag:$0x0] =	sbarrier.arrive $0xFFFF  }
0x7b: {  	p0 =	sne.s32 s7, $0x0;
	_ =	strace $0x90000047  }
0x7c: {  	s0 =	sadd.s32 @!p0 $0x100000, s0;
	[bflag:$0x2] =	sbarrier.arrive $0xFFFF  }
0x7d: {  	[sflag:s0] =	ssyncadd.tile.s32 @!p0 $0x1;
	_ =	shalt  }
.Lfunc_end2:
_tile_overlayer_lowered:
.L_overlay_start_2:
0x7e: {  	(tag) =	ssettag $0x2  }
0x7f: {  	s0 =	rddreg [dreg:$0x0];
	s2 =	stileid.u32  }
0x80: {  	s1 =	rddreg [dreg:$0x1];
	p0 =	sne.s32 s2, $0x0  }
0x81: {  	s3 =	rddreg [dreg:$0x2];
	[bflag:$0x3] =	sbarrier.arrive $0xFFFF;
	s2 =	simm.s32 @!p0 $0x1C02  }
0x82: {  	[timem:s3], [sflag:s2] =	dma.local @!p0 [hbm:s0], s1  }
0x83: {  	s0 =	simm.s32 @!p0 $0x2  }
0x84: {  	_ =	swait.ge @!p0 [sflag:s0], s1  }
0x85: {  	s1 =	ssub.s32 @!p0 $0x0, s1;
	[sflag:s0] =	ssyncset.done @!p0 $0x0  }
0x86: {  	[sflag:s0] =	ssyncadd.s32 @!p0 s1  }
0x87: {  	[bflag:$0x3] =	sbarrier.arrive $0xFFFF  }
0x88: {  	_ =	shalt  }

</sc_bundles>
